<compile_context>
chip_gen: v7x
topology: tpu7x:2x2x1
jax: 0.10.2.dev20260603
libtpu: 0.0.44.dev20260713+nightly
codegen_flags: <defaults>
</compile_context>

<pallas_src>
import functools

import jax
import jax.numpy as jnp
from jax import lax
from jax.experimental import pallas as pl
from jax.experimental.pallas import tpu as pltpu
from jax.experimental.pallas import tpu_sc as plsc

B = 4096
D = 128
K = 8

NC = 2
NS = 16
NW = NC * NS
BPW = B // NW

BM = 512


_sc_mesh = plsc.VectorSubcoreMesh(core_axis_name="c", subcore_axis_name="s")


@functools.partial(
    pl.kernel,
    mesh=_sc_mesh,
    out_type=jax.ShapeDtypeStruct((2 * B, D), jnp.float32),
    scratch_types=[
        pltpu.VMEM((BPW,), jnp.int32),
        pltpu.VMEM((BPW,), jnp.int32),
        pltpu.VMEM((BPW, D), jnp.float32),
        pltpu.VMEM((BPW, D), jnp.float32),
        pltpu.SemaphoreType.DMA,
        pltpu.SemaphoreType.DMA,
        pltpu.SemaphoreType.DMA,
        pltpu.SemaphoreType.DMA,
    ],
)
def _sc_gather(ids_hbm, utab_hbm, itab_hbm, emb_hbm,
               uidx_v, iidx_v, urows_v, irows_v, usem, isem, wusem, wisem):
    wid = lax.axis_index("s") * NC + lax.axis_index("c")
    base = wid * BPW
    lu = pltpu.async_copy(ids_hbm.at[pl.ds(base, BPW)], uidx_v, usem)
    li = pltpu.async_copy(ids_hbm.at[pl.ds(B + base, BPW)], iidx_v, isem)
    lu.wait()
    cu = pltpu.async_copy(utab_hbm.at[uidx_v], urows_v, usem)
    li.wait()
    ci = pltpu.async_copy(itab_hbm.at[iidx_v], irows_v, isem)
    cu.wait()
    wu = pltpu.async_copy(urows_v, emb_hbm.at[pl.ds(base, BPW)], wusem)
    ci.wait()
    wi = pltpu.async_copy(irows_v, emb_hbm.at[pl.ds(B + base, BPW)], wisem)
    wu.wait()
    wi.wait()


def _tc_body(emb_ref, w_ref, b_ref, iv_ref, out_ref):
    logits = jnp.dot(emb_ref[0:B, :], w_ref[...],
                     preferred_element_type=jnp.float32) + b_ref[...]
    m = jnp.max(logits, axis=-1, keepdims=True)
    e = jnp.exp(logits - m)
    scores = e / jnp.sum(e, axis=-1, keepdims=True)
    ui = jnp.dot(scores, iv_ref[...], preferred_element_type=jnp.float32)
    ui_bf = ui.astype(jnp.bfloat16)
    for i in range(B // BM):
        sims = lax.dot_general(
            ui_bf, emb_ref[pl.ds(B + i * BM, BM), :].astype(jnp.bfloat16),
            (((1,), (1,)), ((), ())),
            preferred_element_type=jnp.float32)
        out_ref[pl.ds(i * BM, BM)] = jnp.max(sims, axis=0)


def kernel(user_ids, item_ids, user_table, item_table, interest_vectors,
           attn_W, attn_b):
    ids = jnp.concatenate([user_ids.astype(jnp.int32),
                           item_ids.astype(jnp.int32)])
    emb = _sc_gather(ids, user_table, item_table)
    return pl.pallas_call(
        _tc_body,
        out_shape=jax.ShapeDtypeStruct((B,), jnp.float32),
    )(emb, attn_W, attn_b.reshape(1, K), interest_vectors)

# --- scband reference (transcript-rebuilt; emitter-appended) ---
"""Pipeline reference for scband-trinity-model-62423054680146 (READ-ONLY COPY).

The authoritative reference and input builder live on the scoring server;
editing this copy changes nothing except your own understanding.
"""

import jax, jax.numpy as jnp
import numpy as np

B = 4096
D = 128
K = 8
NUM_USERS = 100000
NUM_ITEMS = 100000


def setup_inputs(seed: int = 0) -> dict:
    key = jax.random.key(seed)
    ks = jax.random.split(key, 7)
    return {
        "user_ids": jax.random.randint(ks[0], (B,), 0, NUM_USERS),
        "item_ids": jax.random.randint(ks[1], (B,), 0, NUM_ITEMS),
        "user_table": jax.random.normal(ks[2], (NUM_USERS, D), dtype=jnp.float32) * 0.05,
        "item_table": jax.random.normal(ks[3], (NUM_ITEMS, D), dtype=jnp.float32) * 0.05,
        "interest_vectors": jax.random.normal(ks[4], (K, D), dtype=jnp.float32) * 0.05,
        "attn_W": jax.random.normal(ks[5], (D, K), dtype=jnp.float32) * 0.05,
        "attn_b": jnp.zeros((K,), dtype=jnp.float32),
    }


def reference(user_ids, item_ids, user_table, item_table, interest_vectors, attn_W, attn_b):
    # Embedding lookups (gather)
    user_emb = jnp.take(user_table, user_ids, axis=0)          # [B, D]
    item_emb = jnp.take(item_table, item_ids, axis=0)          # [B, D]
    # Dense(num_interests, softmax)
    attention_scores = jax.nn.softmax(user_emb @ attn_W + attn_b, axis=-1)  # [B, K]
    # user_interests = attention_scores @ interest_vectors -> [B, D]
    user_interests = attention_scores @ interest_vectors      # [B, D]
    # TF broadcast: user_interests[B,D] * item_emb[:,None,:] -> [B, B, D];
    # sum over last axis: similarities[i, j] = dot(item_emb[i], user_interests[j]).
    # Expressed as an (identical-math) matmul to avoid materializing [B, B, D].
    similarities = item_emb @ user_interests.T                 # [B, B]
    max_similarity = jnp.max(similarities, axis=-1)            # [B]
    return max_similarity

if __name__ == "__main__":
    import jax
    _d = setup_inputs()
    print(jax.jit(kernel)(*tuple(_d.values())))

</pallas_src>

<mosaic_0001>
#map = affine_map<(d0, d1) -> (0)>
#map1 = affine_map<(d0, d1) -> (0, 0)>
module attributes {stable_mosaic.version = 14 : i64} {
  func.func @_sc_gather(%arg0: i32, %arg1: i32, %arg2: memref<8192xi32, #tpu.memory_space<hbm>>, %arg3: memref<100000x128xf32, #tpu.memory_space<hbm>>, %arg4: memref<100000x128xf32, #tpu.memory_space<hbm>>, %arg5: memref<8192x128xf32, #tpu.memory_space<hbm>>, %arg6: memref<128xi32, #tpu.memory_space<vmem>>, %arg7: memref<128xi32, #tpu.memory_space<vmem>>, %arg8: memref<128x128xf32, #tpu.memory_space<vmem>>, %arg9: memref<128x128xf32, #tpu.memory_space<vmem>>, %arg10: memref<!tpu.dma_semaphore, #tpu.memory_space<semaphore_mem>>, %arg11: memref<!tpu.dma_semaphore, #tpu.memory_space<semaphore_mem>>, %arg12: memref<!tpu.dma_semaphore, #tpu.memory_space<semaphore_mem>>, %arg13: memref<!tpu.dma_semaphore, #tpu.memory_space<semaphore_mem>>) attributes {dimension_semantics = [#tpu.dimension_semantics<core_parallel>, #tpu.dimension_semantics<subcore_parallel>], iteration_bounds = array<i64: 2, 16>, scalar_prefetch = 0 : i64, scratch_operands = 8 : i64, tpu.core_type = #tpu.core_type<sc_vector_subcore>, window_params = [{transform_indices = #map}, {transform_indices = #map1}, {transform_indices = #map1}, {transform_indices = #map1}]} {
    %mul3A = arith.constant 2 : i32
    %mul3A_0 = arith.muli %arg1, %mul3A : i32
    %add3A = arith.addi %mul3A_0, %arg0 : i32
    %mul3A_1 = arith.constant 128 : i32
    %mul3A_2 = arith.muli %add3A, %mul3A_1 : i32
    %dma_start3A = tpu.memref_slice %arg2[%mul3A_2] : memref<8192xi32, #tpu.memory_space<hbm>> -> memref<128xi32, #tpu.memory_space<hbm>>
    %dma_start3A_3 = tpu.memref_slice %arg2[%mul3A_2] : memref<8192xi32, #tpu.memory_space<hbm>> -> memref<128xi32, #tpu.memory_space<hbm>>
    tpu.enqueue_dma source(%dma_start3A_3 : memref<128xi32, #tpu.memory_space<hbm>>) target(%arg6 : memref<128xi32, #tpu.memory_space<vmem>>) target_semaphore(%arg10 : memref<!tpu.dma_semaphore, #tpu.memory_space<semaphore_mem>>)
    %add3A_4 = arith.constant 4096 : i32
    %add3A_5 = arith.addi %add3A_4, %mul3A_2 : i32
    %dma_start3A_6 = tpu.memref_slice %arg2[%add3A_5] : memref<8192xi32, #tpu.memory_space<hbm>> -> memref<128xi32, #tpu.memory_space<hbm>>
    %dma_start3A_7 = tpu.memref_slice %arg2[%add3A_5] : memref<8192xi32, #tpu.memory_space<hbm>> -> memref<128xi32, #tpu.memory_space<hbm>>
    tpu.enqueue_dma source(%dma_start3A_7 : memref<128xi32, #tpu.memory_space<hbm>>) target(%arg7 : memref<128xi32, #tpu.memory_space<vmem>>) target_semaphore(%arg11 : memref<!tpu.dma_semaphore, #tpu.memory_space<semaphore_mem>>)
    %dma_wait3A = tpu.memref_slice %arg2[%mul3A_2] : memref<8192xi32, #tpu.memory_space<hbm>> -> memref<128xi32, #tpu.memory_space<hbm>>
    %dma_wait3A_8 = tpu.memref_slice %arg2[%mul3A_2] : memref<8192xi32, #tpu.memory_space<hbm>> -> memref<128xi32, #tpu.memory_space<hbm>>
    tpu.wait_dma2 semaphore(%arg10 : memref<!tpu.dma_semaphore, #tpu.memory_space<semaphore_mem>>) src(%dma_wait3A_8 : memref<128xi32, #tpu.memory_space<hbm>>) dst(%arg6 : memref<128xi32, #tpu.memory_space<vmem>>)
    %dma_start3A_9 = arith.constant 0 : i32
    %dma_start3A_10 = arith.constant 0 : i32
    %dma_start3A_11 = tpu.memref_slice %arg3[%dma_start3A_9, %dma_start3A_10] : memref<100000x128xf32, #tpu.memory_space<hbm>> -> memref<100000x128xf32, #tpu.memory_space<hbm>>
    tpu.enqueue_indirect_dma source(%dma_start3A_11 : memref<100000x128xf32, #tpu.memory_space<hbm>>) target(%arg8 : memref<128x128xf32, #tpu.memory_space<vmem>>) offsets(%arg6 : memref<128xi32, #tpu.memory_space<vmem>>) semaphore(%arg10 : memref<!tpu.dma_semaphore, #tpu.memory_space<semaphore_mem>>)
    %dma_wait3A_12 = tpu.memref_slice %arg2[%add3A_5] : memref<8192xi32, #tpu.memory_space<hbm>> -> memref<128xi32, #tpu.memory_space<hbm>>
    %dma_wait3A_13 = tpu.memref_slice %arg2[%add3A_5] : memref<8192xi32, #tpu.memory_space<hbm>> -> memref<128xi32, #tpu.memory_space<hbm>>
    tpu.wait_dma2 semaphore(%arg11 : memref<!tpu.dma_semaphore, #tpu.memory_space<semaphore_mem>>) src(%dma_wait3A_13 : memref<128xi32, #tpu.memory_space<hbm>>) dst(%arg7 : memref<128xi32, #tpu.memory_space<vmem>>)
    %dma_start3A_14 = arith.constant 0 : i32
    %dma_start3A_15 = arith.constant 0 : i32
    %dma_start3A_16 = tpu.memref_slice %arg4[%dma_start3A_14, %dma_start3A_15] : memref<100000x128xf32, #tpu.memory_space<hbm>> -> memref<100000x128xf32, #tpu.memory_space<hbm>>
    tpu.enqueue_indirect_dma source(%dma_start3A_16 : memref<100000x128xf32, #tpu.memory_space<hbm>>) target(%arg9 : memref<128x128xf32, #tpu.memory_space<vmem>>) offsets(%arg7 : memref<128xi32, #tpu.memory_space<vmem>>) semaphore(%arg11 : memref<!tpu.dma_semaphore, #tpu.memory_space<semaphore_mem>>)
    %dma_wait3A_17 = arith.constant 0 : i32
    %dma_wait3A_18 = arith.constant 0 : i32
    %dma_wait3A_19 = tpu.memref_slice %arg3[%dma_wait3A_17, %dma_wait3A_18] : memref<100000x128xf32, #tpu.memory_space<hbm>> -> memref<100000x128xf32, #tpu.memory_space<hbm>>
    tpu.wait_indirect_dma semaphore(%arg10 : memref<!tpu.dma_semaphore, #tpu.memory_space<semaphore_mem>>) src(%dma_wait3A_19 : memref<100000x128xf32, #tpu.memory_space<hbm>>) dst(%arg8 : memref<128x128xf32, #tpu.memory_space<vmem>>)
    %dma_start3A_20 = arith.constant 0 : i32
    %dma_start3A_21 = tpu.memref_slice %arg5[%mul3A_2, %dma_start3A_20] : memref<8192x128xf32, #tpu.memory_space<hbm>> -> memref<128x128xf32, #tpu.memory_space<hbm>>
    %dma_start3A_22 = arith.constant 0 : i32
    %dma_start3A_23 = tpu.memref_slice %arg5[%mul3A_2, %dma_start3A_22] : memref<8192x128xf32, #tpu.memory_space<hbm>> -> memref<128x128xf32, #tpu.memory_space<hbm>>
    tpu.enqueue_dma source(%arg8 : memref<128x128xf32, #tpu.memory_space<vmem>>) target(%dma_start3A_23 : memref<128x128xf32, #tpu.memory_space<hbm>>) target_semaphore(%arg12 : memref<!tpu.dma_semaphore, #tpu.memory_space<semaphore_mem>>)
    %dma_wait3A_24 = arith.constant 0 : i32
    %dma_wait3A_25 = arith.constant 0 : i32
    %dma_wait3A_26 = tpu.memref_slice %arg4[%dma_wait3A_24, %dma_wait3A_25] : memref<100000x128xf32, #tpu.memory_space<hbm>> -> memref<100000x128xf32, #tpu.memory_space<hbm>>
    tpu.wait_indirect_dma semaphore(%arg11 : memref<!tpu.dma_semaphore, #tpu.memory_space<semaphore_mem>>) src(%dma_wait3A_26 : memref<100000x128xf32, #tpu.memory_space<hbm>>) dst(%arg9 : memref<128x128xf32, #tpu.memory_space<vmem>>)
    %add3A_27 = arith.constant 4096 : i32
    %add3A_28 = arith.addi %add3A_27, %mul3A_2 : i32
    %dma_start3A_29 = arith.constant 0 : i32
    %dma_start3A_30 = tpu.memref_slice %arg5[%add3A_28, %dma_start3A_29] : memref<8192x128xf32, #tpu.memory_space<hbm>> -> memref<128x128xf32, #tpu.memory_space<hbm>>
    %dma_start3A_31 = arith.constant 0 : i32
    %dma_start3A_32 = tpu.memref_slice %arg5[%add3A_28, %dma_start3A_31] : memref<8192x128xf32, #tpu.memory_space<hbm>> -> memref<128x128xf32, #tpu.memory_space<hbm>>
    tpu.enqueue_dma source(%arg9 : memref<128x128xf32, #tpu.memory_space<vmem>>) target(%dma_start3A_32 : memref<128x128xf32, #tpu.memory_space<hbm>>) target_semaphore(%arg13 : memref<!tpu.dma_semaphore, #tpu.memory_space<semaphore_mem>>)
    %dma_wait3A_33 = arith.constant 0 : i32
    %dma_wait3A_34 = tpu.memref_slice %arg5[%mul3A_2, %dma_wait3A_33] : memref<8192x128xf32, #tpu.memory_space<hbm>> -> memref<128x128xf32, #tpu.memory_space<hbm>>
    %dma_wait3A_35 = arith.constant 0 : i32
    %dma_wait3A_36 = tpu.memref_slice %arg5[%mul3A_2, %dma_wait3A_35] : memref<8192x128xf32, #tpu.memory_space<hbm>> -> memref<128x128xf32, #tpu.memory_space<hbm>>
    tpu.wait_dma2 semaphore(%arg12 : memref<!tpu.dma_semaphore, #tpu.memory_space<semaphore_mem>>) src(%arg8 : memref<128x128xf32, #tpu.memory_space<vmem>>) dst(%dma_wait3A_36 : memref<128x128xf32, #tpu.memory_space<hbm>>)
    %dma_wait3A_37 = arith.constant 0 : i32
    %dma_wait3A_38 = tpu.memref_slice %arg5[%add3A_28, %dma_wait3A_37] : memref<8192x128xf32, #tpu.memory_space<hbm>> -> memref<128x128xf32, #tpu.memory_space<hbm>>
    %dma_wait3A_39 = arith.constant 0 : i32
    %dma_wait3A_40 = tpu.memref_slice %arg5[%add3A_28, %dma_wait3A_39] : memref<8192x128xf32, #tpu.memory_space<hbm>> -> memref<128x128xf32, #tpu.memory_space<hbm>>
    tpu.wait_dma2 semaphore(%arg13 : memref<!tpu.dma_semaphore, #tpu.memory_space<semaphore_mem>>) src(%arg9 : memref<128x128xf32, #tpu.memory_space<vmem>>) dst(%dma_wait3A_40 : memref<128x128xf32, #tpu.memory_space<hbm>>)
    return
  }
}

module attributes {stable_mosaic.version = 14 : i64} {
  func.func @_tc_body(%arg0: memref<8192x128xf32, #tpu.memory_space<vmem>>, %arg1: memref<128x8xf32, #tpu.memory_space<vmem>>, %arg2: memref<1x8xf32, #tpu.memory_space<vmem>>, %arg3: memref<8x128xf32, #tpu.memory_space<vmem>>, %arg4: memref<4096xf32, #tpu.memory_space<vmem>>) attributes {dimension_semantics = [], scalar_prefetch = 0 : i64, scratch_operands = 0 : i64, tpu.core_type = #tpu.core_type<tc>} {
    %get3A = arith.constant 0 : index
    %get3A_0 = arith.constant 0 : index
    %get3A_1 = vector.load %arg0[%get3A, %get3A_0] : memref<8192x128xf32, #tpu.memory_space<vmem>>, vector<4096x128xf32>
    %get3A_2 = arith.constant 0 : index
    %get3A_3 = arith.constant 0 : index
    %get3A_4 = vector.load %arg1[%get3A_2, %get3A_3] : memref<128x8xf32, #tpu.memory_space<vmem>>, vector<128x8xf32>
    %dot_general3A = arith.constant dense<0.000000e+00> : vector<4096x8xf32>
    %dot_general3A_5 = tpu.matmul %get3A_1, %get3A_4, %dot_general3A {dimension_numbers = #tpu.dot_dimension_numbers<[1], [0], [0], [1], [0, 0, 1, 1], [], []>, transpose_lhs_hint = false} : vector<4096x128xf32>, vector<128x8xf32>, vector<4096x8xf32> -> vector<4096x8xf32>
    %get3A_6 = arith.constant 0 : index
    %get3A_7 = arith.constant 0 : index
    %get3A_8 = vector.load %arg2[%get3A_6, %get3A_7] : memref<1x8xf32, #tpu.memory_space<vmem>>, vector<1x8xf32>
    %add3A = vector.broadcast %get3A_8 : vector<1x8xf32> to vector<4096x8xf32>
    %add3A_9 = arith.addf %dot_general3A_5, %add3A : vector<4096x8xf32>
    %reduce_max3A = arith.constant dense<0xFF800000> : vector<4096xf32>
    %reduce_max3A_10 = vector.multi_reduction <maximumf>, %add3A_9, %reduce_max3A [1] : vector<4096x8xf32> to vector<4096xf32>
    %broadcast_in_dim3A = vector.shape_cast %reduce_max3A_10 : vector<4096xf32> to vector<4096x1xf32>
    %sub3A = vector.broadcast %broadcast_in_dim3A : vector<4096x1xf32> to vector<4096x8xf32>
    %sub3A_11 = arith.subf %add3A_9, %sub3A : vector<4096x8xf32>
    %exp3A = math.exp %sub3A_11 : vector<4096x8xf32>
    %reduce_sum3A = arith.constant dense<0.000000e+00> : vector<4096xf32>
    %reduce_sum3A_12 = vector.multi_reduction <add>, %exp3A, %reduce_sum3A [1] : vector<4096x8xf32> to vector<4096xf32>
    %broadcast_in_dim3A_13 = vector.shape_cast %reduce_sum3A_12 : vector<4096xf32> to vector<4096x1xf32>
    %div3A = vector.broadcast %broadcast_in_dim3A_13 : vector<4096x1xf32> to vector<4096x8xf32>
    %div3A_14 = arith.divf %exp3A, %div3A : vector<4096x8xf32>
    %get3A_15 = arith.constant 0 : index
    %get3A_16 = arith.constant 0 : index
    %get3A_17 = vector.load %arg3[%get3A_15, %get3A_16] : memref<8x128xf32, #tpu.memory_space<vmem>>, vector<8x128xf32>
    %dot_general3A_18 = arith.constant dense<0.000000e+00> : vector<4096x128xf32>
    %dot_general3A_19 = tpu.matmul %div3A_14, %get3A_17, %dot_general3A_18 {dimension_numbers = #tpu.dot_dimension_numbers<[1], [0], [0], [1], [0, 0, 1, 1], [], []>, transpose_lhs_hint = false} : vector<4096x8xf32>, vector<8x128xf32>, vector<4096x128xf32> -> vector<4096x128xf32>
    %convert_element_type3A = arith.truncf %dot_general3A_19 : vector<4096x128xf32> to vector<4096x128xbf16>
    %get3A_20 = arith.constant 4096 : index
    %get3A_21 = arith.constant 0 : index
    %get3A_22 = vector.load %arg0[%get3A_20, %get3A_21] : memref<8192x128xf32, #tpu.memory_space<vmem>>, vector<512x128xf32>
    %convert_element_type3A_23 = arith.truncf %get3A_22 : vector<512x128xf32> to vector<512x128xbf16>
    %dot_general3A_24 = arith.constant dense<0.000000e+00> : vector<4096x512xf32>
    %dot_general3A_25 = tpu.matmul %convert_element_type3A, %convert_element_type3A_23, %dot_general3A_24 {dimension_numbers = #tpu.dot_dimension_numbers<[1], [1], [0], [0], [0, 0, 1, 0], [], []>, transpose_lhs_hint = false} : vector<4096x128xbf16>, vector<512x128xbf16>, vector<4096x512xf32> -> vector<4096x512xf32>
    %reduce_max3A_26 = arith.constant dense<0xFF800000> : vector<512xf32>
    %reduce_max3A_27 = vector.multi_reduction <maximumf>, %dot_general3A_25, %reduce_max3A_26 [0] : vector<4096x512xf32> to vector<512xf32>
    %swap3A = arith.constant 0 : index
    %swap3A_28 = vector.load %arg4[%swap3A] : memref<4096xf32, #tpu.memory_space<vmem>>, vector<512xf32>
    tpu.vector_store %arg4[%swap3A], %reduce_max3A_27 {strides = array<i32>} : memref<4096xf32, #tpu.memory_space<vmem>>, vector<512xf32>,
    %get3A_29 = arith.constant 4608 : index
    %get3A_30 = arith.constant 0 : index
    %get3A_31 = vector.load %arg0[%get3A_29, %get3A_30] : memref<8192x128xf32, #tpu.memory_space<vmem>>, vector<512x128xf32>
    %convert_element_type3A_32 = arith.truncf %get3A_31 : vector<512x128xf32> to vector<512x128xbf16>
    %dot_general3A_33 = arith.constant dense<0.000000e+00> : vector<4096x512xf32>
    %dot_general3A_34 = tpu.matmul %convert_element_type3A, %convert_element_type3A_32, %dot_general3A_33 {dimension_numbers = #tpu.dot_dimension_numbers<[1], [1], [0], [0], [0, 0, 1, 0], [], []>, transpose_lhs_hint = false} : vector<4096x128xbf16>, vector<512x128xbf16>, vector<4096x512xf32> -> vector<4096x512xf32>
    %reduce_max3A_35 = arith.constant dense<0xFF800000> : vector<512xf32>
    %reduce_max3A_36 = vector.multi_reduction <maximumf>, %dot_general3A_34, %reduce_max3A_35 [0] : vector<4096x512xf32> to vector<512xf32>
    %swap3A_37 = arith.constant 512 : index
    %swap3A_38 = vector.load %arg4[%swap3A_37] : memref<4096xf32, #tpu.memory_space<vmem>>, vector<512xf32>
    tpu.vector_store %arg4[%swap3A_37], %reduce_max3A_36 {strides = array<i32>} : memref<4096xf32, #tpu.memory_space<vmem>>, vector<512xf32>,
    %get3A_39 = arith.constant 5120 : index
    %get3A_40 = arith.constant 0 : index
    %get3A_41 = vector.load %arg0[%get3A_39, %get3A_40] : memref<8192x128xf32, #tpu.memory_space<vmem>>, vector<512x128xf32>
    %convert_element_type3A_42 = arith.truncf %get3A_41 : vector<512x128xf32> to vector<512x128xbf16>
    %dot_general3A_43 = arith.constant dense<0.000000e+00> : vector<4096x512xf32>
    %dot_general3A_44 = tpu.matmul %convert_element_type3A, %convert_element_type3A_42, %dot_general3A_43 {dimension_numbers = #tpu.dot_dimension_numbers<[1], [1], [0], [0], [0, 0, 1, 0], [], []>, transpose_lhs_hint = false} : vector<4096x128xbf16>, vector<512x128xbf16>, vector<4096x512xf32> -> vector<4096x512xf32>
    %reduce_max3A_45 = arith.constant dense<0xFF800000> : vector<512xf32>
    %reduce_max3A_46 = vector.multi_reduction <maximumf>, %dot_general3A_44, %reduce_max3A_45 [0] : vector<4096x512xf32> to vector<512xf32>
    %swap3A_47 = arith.constant 1024 : index
    %swap3A_48 = vector.load %arg4[%swap3A_47] : memref<4096xf32, #tpu.memory_space<vmem>>, vector<512xf32>
    tpu.vector_store %arg4[%swap3A_47], %reduce_max3A_46 {strides = array<i32>} : memref<4096xf32, #tpu.memory_space<vmem>>, vector<512xf32>,
    %get3A_49 = arith.constant 5632 : index
    %get3A_50 = arith.constant 0 : index
    %get3A_51 = vector.load %arg0[%get3A_49, %get3A_50] : memref<8192x128xf32, #tpu.memory_space<vmem>>, vector<512x128xf32>
    %convert_element_type3A_52 = arith.truncf %get3A_51 : vector<512x128xf32> to vector<512x128xbf16>
    %dot_general3A_53 = arith.constant dense<0.000000e+00> : vector<4096x512xf32>
    %dot_general3A_54 = tpu.matmul %convert_element_type3A, %convert_element_type3A_52, %dot_general3A_53 {dimension_numbers = #tpu.dot_dimension_numbers<[1], [1], [0], [0], [0, 0, 1, 0], [], []>, transpose_lhs_hint = false} : vector<4096x128xbf16>, vector<512x128xbf16>, vector<4096x512xf32> -> vector<4096x512xf32>
    %reduce_max3A_55 = arith.constant dense<0xFF800000> : vector<512xf32>
    %reduce_max3A_56 = vector.multi_reduction <maximumf>, %dot_general3A_54, %reduce_max3A_55 [0] : vector<4096x512xf32> to vector<512xf32>
    %swap3A_57 = arith.constant 1536 : index
    %swap3A_58 = vector.load %arg4[%swap3A_57] : memref<4096xf32, #tpu.memory_space<vmem>>, vector<512xf32>
    tpu.vector_store %arg4[%swap3A_57], %reduce_max3A_56 {strides = array<i32>} : memref<4096xf32, #tpu.memory_space<vmem>>, vector<512xf32>,
    %get3A_59 = arith.constant 6144 : index
    %get3A_60 = arith.constant 0 : index
    %get3A_61 = vector.load %arg0[%get3A_59, %get3A_60] : memref<8192x128xf32, #tpu.memory_space<vmem>>, vector<512x128xf32>
    %convert_element_type3A_62 = arith.truncf %get3A_61 : vector<512x128xf32> to vector<512x128xbf16>
    %dot_general3A_63 = arith.constant dense<0.000000e+00> : vector<4096x512xf32>
    %dot_general3A_64 = tpu.matmul %convert_element_type3A, %convert_element_type3A_62, %dot_general3A_63 {dimension_numbers = #tpu.dot_dimension_numbers<[1], [1], [0], [0], [0, 0, 1, 0], [], []>, transpose_lhs_hint = false} : vector<4096x128xbf16>, vector<512x128xbf16>, vector<4096x512xf32> -> vector<4096x512xf32>
    %reduce_max3A_65 = arith.constant dense<0xFF800000> : vector<512xf32>
    %reduce_max3A_66 = vector.multi_reduction <maximumf>, %dot_general3A_64, %reduce_max3A_65 [0] : vector<4096x512xf32> to vector<512xf32>
    %swap3A_67 = arith.constant 2048 : index
    %swap3A_68 = vector.load %arg4[%swap3A_67] : memref<4096xf32, #tpu.memory_space<vmem>>, vector<512xf32>
    tpu.vector_store %arg4[%swap3A_67], %reduce_max3A_66 {strides = array<i32>} : memref<4096xf32, #tpu.memory_space<vmem>>, vector<512xf32>,
    %get3A_69 = arith.constant 6656 : index
    %get3A_70 = arith.constant 0 : index
    %get3A_71 = vector.load %arg0[%get3A_69, %get3A_70] : memref<8192x128xf32, #tpu.memory_space<vmem>>, vector<512x128xf32>
    %convert_element_type3A_72 = arith.truncf %get3A_71 : vector<512x128xf32> to vector<512x128xbf16>
    %dot_general3A_73 = arith.constant dense<0.000000e+00> : vector<4096x512xf32>
    %dot_general3A_74 = tpu.matmul %convert_element_type3A, %convert_element_type3A_72, %dot_general3A_73 {dimension_numbers = #tpu.dot_dimension_numbers<[1], [1], [0], [0], [0, 0, 1, 0], [], []>, transpose_lhs_hint = false} : vector<4096x128xbf16>, vector<512x128xbf16>, vector<4096x512xf32> -> vector<4096x512xf32>
    %reduce_max3A_75 = arith.constant dense<0xFF800000> : vector<512xf32>
    %reduce_max3A_76 = vector.multi_reduction <maximumf>, %dot_general3A_74, %reduce_max3A_75 [0] : vector<4096x512xf32> to vector<512xf32>
    %swap3A_77 = arith.constant 2560 : index
    %swap3A_78 = vector.load %arg4[%swap3A_77] : memref<4096xf32, #tpu.memory_space<vmem>>, vector<512xf32>
    tpu.vector_store %arg4[%swap3A_77], %reduce_max3A_76 {strides = array<i32>} : memref<4096xf32, #tpu.memory_space<vmem>>, vector<512xf32>,
    %get3A_79 = arith.constant 7168 : index
    %get3A_80 = arith.constant 0 : index
    %get3A_81 = vector.load %arg0[%get3A_79, %get3A_80] : memref<8192x128xf32, #tpu.memory_space<vmem>>, vector<512x128xf32>
    %convert_element_type3A_82 = arith.truncf %get3A_81 : vector<512x128xf32> to vector<512x128xbf16>
    %dot_general3A_83 = arith.constant dense<0.000000e+00> : vector<4096x512xf32>
    %dot_general3A_84 = tpu.matmul %convert_element_type3A, %convert_element_type3A_82, %dot_general3A_83 {dimension_numbers = #tpu.dot_dimension_numbers<[1], [1], [0], [0], [0, 0, 1, 0], [], []>, transpose_lhs_hint = false} : vector<4096x128xbf16>, vector<512x128xbf16>, vector<4096x512xf32> -> vector<4096x512xf32>
    %reduce_max3A_85 = arith.constant dense<0xFF800000> : vector<512xf32>
    %reduce_max3A_86 = vector.multi_reduction <maximumf>, %dot_general3A_84, %reduce_max3A_85 [0] : vector<4096x512xf32> to vector<512xf32>
    %swap3A_87 = arith.constant 3072 : index
    %swap3A_88 = vector.load %arg4[%swap3A_87] : memref<4096xf32, #tpu.memory_space<vmem>>, vector<512xf32>
    tpu.vector_store %arg4[%swap3A_87], %reduce_max3A_86 {strides = array<i32>} : memref<4096xf32, #tpu.memory_space<vmem>>, vector<512xf32>,
    %get3A_89 = arith.constant 7680 : index
    %get3A_90 = arith.constant 0 : index
    %get3A_91 = vector.load %arg0[%get3A_89, %get3A_90] : memref<8192x128xf32, #tpu.memory_space<vmem>>, vector<512x128xf32>
    %convert_element_type3A_92 = arith.truncf %get3A_91 : vector<512x128xf32> to vector<512x128xbf16>
    %dot_general3A_93 = arith.constant dense<0.000000e+00> : vector<4096x512xf32>
    %dot_general3A_94 = tpu.matmul %convert_element_type3A, %convert_element_type3A_92, %dot_general3A_93 {dimension_numbers = #tpu.dot_dimension_numbers<[1], [1], [0], [0], [0, 0, 1, 0], [], []>, transpose_lhs_hint = false} : vector<4096x128xbf16>, vector<512x128xbf16>, vector<4096x512xf32> -> vector<4096x512xf32>
    %reduce_max3A_95 = arith.constant dense<0xFF800000> : vector<512xf32>
    %reduce_max3A_96 = vector.multi_reduction <maximumf>, %dot_general3A_94, %reduce_max3A_95 [0] : vector<4096x512xf32> to vector<512xf32>
    %swap3A_97 = arith.constant 3584 : index
    %swap3A_98 = vector.load %arg4[%swap3A_97] : memref<4096xf32, #tpu.memory_space<vmem>>, vector<512xf32>
    tpu.vector_store %arg4[%swap3A_97], %reduce_max3A_96 {strides = array<i32>} : memref<4096xf32, #tpu.memory_space<vmem>>, vector<512xf32>,
    return
  }
}

</mosaic_0001>

<sc_bundles>
// kernel: kernel.4.cloned.1.call-start
scs
__scs_entry_jumppad:
0x0: {  	(pc) =	sbr.rel $0x88, $3  }
0x1: {  	(tag) =	ssettag $0x0;
	lr =	simm.s32 $0x1  }
0x2: {  	[smem:$0x3F9A] =	sst lr;
	_ =	strace $0xD0000000  }
0x3: {  	_ = 	snop  }
0x4: {  	_ = 	snop  }
0x5: {  	_ = 	snop  }
0x6: {  	_ = 	snop  }
0x7: {  	_ = 	snop  }
__scs_overlays_trampoline_lowered:
0x8: {  	[smem:$0x3FA9] =	sst s0  }
0x9: {  	[smem:$0x3FAA] =	sst s1  }
0xa: {  	[smem:$0x3FAB] =	sst s2  }
0xb: {  	[smem:$0x3FAC] =	sst s3  }
0xc: {  	[smem:$0x3FAD] =	sst s4  }
0xd: {  	[smem:$0x3FAE] =	sst s5  }
0xe: {  	[smem:$0x3FAF] =	sst s6  }
0xf: {  	[smem:$0x3FB0] =	sst s7  }
0x10: {  	[smem:$0x3FB1] =	sst s8  }
0x11: {  	[smem:$0x3FB2] =	sst s9;
	s0 =	simm.s32 @!p0 $0x0  }
0x12: {  	s1 =	sld [smem:$0x3F98];
	s0 =	simm.s32 @p0 $0x1  }
0x13: {  	[smem:$0x3FB3] =	sst s0;
	s0 =	simm.s32 @!p1 $0x0  }
0x14: {  	s2 =	sld [smem:$0x3F97];
	s0 =	simm.s32 @p1 $0x1  }
0x15: {  	[smem:$0x3FB4] =	sst s0;
	s0 =	simm.s32 @!p2 $0x0  }
0x16: {  	s3 =	sld [smem:$0x3FDB];
	s0 =	simm.s32 @p2 $0x1  }
0x17: {  	s4 =	simm.s32 $0x1BF5;
	[smem:$0x3FB6] =	sst s0  }
0x18: {  	s0 =	sld [smem:$0x3F99];
	_ =	swait.ge [sflag:s4], $0x0  }
0x19: {  	s7 =	sld [smem:$0x3F9A]  }
0x1a: {  	s8 =	sadd.s32 $0xFFFFE003, lr  }
0x1b: {  	s9 =	sadd.s32 $0xFFFFFEF7, lr;
	s5 =	simm.s32 $0xFFFFFFFF;
	p2 =	slt.u32 s8, $0xFFFFF086  }
0x1c: {  	p1 =	slt.u32 s9, $0xF7A;
	s5 =	simm.s32 @!p2 $0x0  }
0x1d: {  	s5 =	simm.s32 @p1 $0x1;
	p0 =	seq.s32 s7, s2  }
0x1e: {  	s7 =	smul.u32 @!p0 $0xF7A, s2;
	p2 =	seq.s32 @!p0 s5, $0x0  }
0x1f: {  	s9 =	smul.u32 $0xF7A, s1;
	s8 =	simm.s32 @!p0 $0x1BF5;
	p2 =	por !p2, p0  }
0x20: {  	[sflag:s8] =	ssyncset.s32 @!p0 $0xFFFFF086;
	s6 =	sadd.s32 @!p0 s3, s7;
	s7 =	simm.s32 @!p0 $0x108  }
0x21: {  	s3 =	sadd.s32 s3, s9;
	s6 =	sadd.s32 @!p0 $0x88, s6;
	s7 =	simm.s32 @p2 $0x1082  }
0x22: {  	[simem:s7], [sflag:s8] =	dma.local @!p0 [hbm:s6], $0xF7A  }
0x23: {  	s9 =	sor.u32 $0xD0000000, s2;
	s6 =	simm.s32 $0x108;
	_ =	swait.ge @!p0 [sflag:s8], $0x0  }
0x24: {  	s3 =	sadd.s32 $0x88, s3;
	s6 =	simm.s32 @!p1 $0x1082;
	[sflag:s4] =	ssyncset.s32 $0xFFFFF086  }
0x25: {  	[simem:s6], [sflag:s4] =	dma.local [hbm:s3], $0xF7A  }
0x26: {  	[smem:$0x3F9A] =	sst s1;
	(tag) =	ssettag s2;
	_ =	strace s9  }
0x27: {  	s1 =	sld [smem:$0x3FAA]  }
0x28: {  	s2 =	sld [smem:$0x3FAB]  }
0x29: {  	s4 =	sld [smem:$0x3FAD]  }
0x2a: {  	p0 =	seq.s32 s5, $0x0;
	s5 =	sld [smem:$0x3FAE]  }
0x2b: {  	s6 =	sld [smem:$0x3FAF]  }
0x2c: {  	s7 =	sld [smem:$0x3FB0]  }
0x2d: {  	s3 =	simm.s32 $0x108;
	s8 =	sld [smem:$0x3FB1]  }
0x2e: {  	s3 =	simm.s32 @!p0 $0x1082;
	s9 =	sld [smem:$0x3FB2]  }
0x2f: {  	lr =	sadd.s32 s0, s3;
	s0 =	sld [smem:$0x3FA9]  }
0x30: {  	s3 =	sld [smem:$0x3FAC]  }
0x31: {  	[smem:$0x3FB5] =	sst s10  }
0x32: {  	s10 =	sld [smem:$0x3FB3];
	_ =	sdelay $0x3  }
0x33: {  	p0 =	seq.s32 s10, $0x1;
	s10 =	sld [smem:$0x3FB5];
	_ =	sdelay $0x3  }
0x34: {  	[smem:$0x3FB5] =	sst s10  }
0x35: {  	s10 =	sld [smem:$0x3FB4];
	_ =	sdelay $0x3  }
0x36: {  	p1 =	seq.s32 s10, $0x1;
	s10 =	sld [smem:$0x3FB5];
	_ =	sdelay $0x3  }
0x37: {  	[smem:$0x3FB5] =	sst s10  }
0x38: {  	s10 =	sld [smem:$0x3FB6]  }
0x39: {  	_ = 	snop;
	(pc) =	sbr.ind lr, $3  }
0x3a: {  	_ = 	snop  }
0x3b: {  	_ = 	snop  }
0x3c: {  	p2 =	seq.s32 s10, $0x1;
	s10 =	sld [smem:$0x3FB5]  }
0x3d: {  	_ =	shalt  }
0x3e: {  	_ =	shalt  }
0x3f: {  	_ =	shalt  }
0x40: {  	_ =	shalt  }
0x41: {  	_ =	shalt  }
0x42: {  	_ =	shalt  }
0x43: {  	_ =	shalt  }
0x44: {  	_ =	shalt  }
0x45: {  	_ =	shalt  }
0x46: {  	_ =	shalt  }
0x47: {  	_ =	shalt  }
0x48: {  	_ =	shalt  }
0x49: {  	_ =	shalt  }
0x4a: {  	_ =	shalt  }
0x4b: {  	_ =	shalt  }
0x4c: {  	_ =	shalt  }
0x4d: {  	_ =	shalt  }
0x4e: {  	_ =	shalt  }
0x4f: {  	_ =	shalt  }
0x50: {  	_ =	shalt  }
0x51: {  	_ =	shalt  }
0x52: {  	_ =	shalt  }
0x53: {  	_ =	shalt  }
0x54: {  	_ =	shalt  }
0x55: {  	_ =	shalt  }
0x56: {  	_ =	shalt  }
0x57: {  	_ =	shalt  }
0x58: {  	_ =	shalt  }
0x59: {  	_ =	shalt  }
0x5a: {  	_ =	shalt  }
0x5b: {  	_ =	shalt  }
0x5c: {  	_ =	shalt  }
0x5d: {  	_ =	shalt  }
0x5e: {  	_ =	shalt  }
0x5f: {  	_ =	shalt  }
0x60: {  	_ =	shalt  }
0x61: {  	_ =	shalt  }
0x62: {  	_ =	shalt  }
0x63: {  	_ =	shalt  }
0x64: {  	_ =	shalt  }
0x65: {  	_ =	shalt  }
0x66: {  	_ =	shalt  }
0x67: {  	_ =	shalt  }
0x68: {  	_ =	shalt  }
0x69: {  	_ =	shalt  }
0x6a: {  	_ =	shalt  }
0x6b: {  	_ =	shalt  }
0x6c: {  	_ =	shalt  }
0x6d: {  	_ =	shalt  }
0x6e: {  	_ =	shalt  }
0x6f: {  	_ =	shalt  }
0x70: {  	_ =	shalt  }
0x71: {  	_ =	shalt  }
0x72: {  	_ =	shalt  }
0x73: {  	_ =	shalt  }
0x74: {  	_ =	shalt  }
0x75: {  	_ =	shalt  }
0x76: {  	_ =	shalt  }
0x77: {  	_ =	shalt  }
0x78: {  	_ =	shalt  }
0x79: {  	_ =	shalt  }
0x7a: {  	_ =	shalt  }
0x7b: {  	_ =	shalt  }
0x7c: {  	_ =	shalt  }
0x7d: {  	_ =	shalt  }
0x7e: {  	_ =	shalt  }
0x7f: {  	_ =	shalt  }
0x80: {  	_ =	shalt  }
0x81: {  	_ =	shalt  }
0x82: {  	_ =	shalt  }
0x83: {  	_ =	shalt  }
0x84: {  	_ =	shalt  }
0x85: {  	_ =	shalt  }
0x86: {  	_ =	shalt  }
0x87: {  	_ =	shalt  }
.Lfunc_end0:
.L_simem_size_0:
called_computation_lowered:
.L_overlay_start_0:
0x88: {  	s2 =	sld [smem:$0x3FD9]  }
0x89: {  	s3 =	sld [smem:$0x3FFE];
	_ =	sdelay $0x1  }
0x8a: {  	s1 =	srdreg.scid  }
0x8b: {  	s0 =	sand.u32 $0x1, s1  }
0x8c: {  	s17 =	sshll.u32 s0, $0xA;
	s2 =	sadd.s32 s3, s2  }
0x8d: {  	s2 =	sadd.s32 s2, s17  }
0x8e: {  	[smem:$0x3FC1] =	sst s2  }
0x8f: {  	_ = 	snop  }
0x90: {  	s2 =	sld [smem:$0x3FC7]  }
0x91: {  	s18 =	sld [smem:$0x3FC6];
	(tm) =	ssettm $0x1  }
0x92: {  	s4 =	sld [smem:$0x3FFB];
	_ =	sdelay $0x3  }
0x93: {  	_ =	strace s4  }
0x94: {  	s4 =	sld [smem:$0x3FFC];
	_ =	sdelay $0x3  }
0x95: {  	_ =	strace s4  }
0x96: {  	s4 =	sld [smem:$0x3FFD];
	_ =	sdelay $0x3  }
0x97: {  	_ =	strace s4  }
0x98: {  	_ =	strace $0x8FFFFFFF  }
0x99: {  	s19 =	sld [smem:$0x3FDB];
	_ =	sdelay $0x1  }
0x9a: {  	s5 =	simm.s32 $_scs_section_size  }
0x9b: {  	s6 =	simm.s32 $_size__tile_overlayer_lowered;
	s7 =	simm.s32 $_tile_overlayer_lowered  }
0x9c: {  	s22 =	simm.s32 $0x1BFF;
	s21 =	sshll.u32 s7, $0x1;
	s4 =	sadd.s32 s5, s19  }
0x9d: {  	s8 =	simm.s32 $0x0;
	s20 =	sshll.u32 s6, $0x1;
	s6 =	sadd.s32 s21, s4  }
0x9e: {  	[timem:s8], [sflag:s22] =	dma.local [hbm:s6], s20  }
0x9f: {  	_ =	swait.ge [sflag:s22], s20  }
0xa0: {  	s5 =	ssub.s32 $0x0, s20;
	[sflag:s22] =	ssyncset.done $0x0  }
0xa1: {  	[sflag:s22] =	ssyncadd.s32 s5;
	_ =	sdelay $0x1  }
0xa2: {  	s23 =	simm.s32 $0x1B8B  }
0xa3: {  	_ =	swait.ge [sflag:s23], $0x1  }
0xa4: {  	[sflag:s23] =	ssyncset.done $0x0  }
0xa5: {  	s25 =	simm.s32 $0x1B8E;
	s24 =	sld [smem:$0x3FFE];
	[sflag:s23] =	ssyncadd.s32 $0xFFFFFFFF  }
0xa6: {  	s26 =	simm.s32 $execute0_lowered;
	[smem:$0x3FD2] =	sst s25  }
0xa7: {  	s6 =	sshll.u32 s26, $0x1;
	_ =	strace $0x80000046;
	[dreg:$0x1] =	wrdreg $0xFFFFFFFF  }
0xa8: {  	s28 =	simm.s32 $_size_execute0_lowered;
	s4 =	sadd.s32 s4, s6;
	[dreg:$0x0] =	wrdreg $0x0  }
0xa9: {  	s6 =	sshll.u32 s28, $0x1;
	[dreg:$0x2] =	wrdreg s4  }
0xaa: {  	[dreg:$0x3] =	wrdreg s6  }
0xab: {  	[dreg:$0x4] =	wrdreg $0xC0  }
0xac: {  	_ =	task [dreg:s8], $0x5FFFF  }
0xad: {  	[dreg:$0x1] =	wrdreg $0xFFFFFFFF  }
0xae: {  	[dreg:$0x0] =	wrdreg $0x60  }
0xaf: {  	[dreg:$0x2] =	wrdreg s24  }
0xb0: {  	[dreg:$0x3] =	wrdreg s2  }
0xb1: {  	[dreg:$0x4] =	wrdreg s18  }
0xb2: {  	[dreg:$0x5] =	wrdreg $0x9  }
0xb3: {  	_ =	task.clear_ibuf [dreg:s8], $0x6FFFF;
	_ =	strace $0x90000046  }
0xb4: {  	s29 =	simm.s32 $0x9;
	_ =	strace $0x80000048  }
0xb5: {  	_ =	swait.ge [sflag:s29], $0x1  }
0xb6: {  	[sflag:s29] =	ssyncadd.s32 $0xFFFFFFFF  }
0xb7: {  	_ =	strace $0x90000048  }
0xb8: {  	_ =	sfence  }
0xb9: {  	s30 =	sld [smem:$0x0];
	_ =	sdelay $0x2  }
0xba: {  	s31 =	sshll.u32 s1, $0xD;
	s1 =	sshrl.u32 s1, $0x2  }
0xbb: {  	s3 =	sand.u32 $0x4000, s31;
	s1 =	sadd.s32 s1, s30  }
0xbc: {  	s0 =	sor.u32 s3, s0;
	s1 =	sshll.u32 s1, $0x11  }
0xbd: {  	s0 =	sor.u32 s1, s0  }
0xbe: {  	s0 =	sadd.s32 $0x8F2B, s0  }
0xbf: {  	[sflag:s0] =	ssyncadd.remote.s32 $0x1  }
0xc0: {  	_ =	sfence.sel $0xFFFF  }
0xc1: {  	[dreg:$0x0] =	wrdreg $0xFFFFFFFF;
	(pc) =	sbr.abs _section_cstart, $3  }
0xc2: {  	[dreg:$0x1] =	wrdreg $0xFFFFFFFF  }
0xc3: {  	_ =	task.clear_ibuf [dreg:s8], $0x2FFFF;
	_ =	strace $0x9FFFFFFF  }
0xc4: {  	(tm) =	ssettm $0x7FFFFFFF  }
0xc5: {  	_ =	shalt  }
tec
execute0_lowered:
.L_overlay_start_1:
0x0: {  	(tag) =	ssettag $0x1  }
0x1: {  	s12 =	rddreg [dreg:$0x0]  }
0x2: {  	s2 =	rddreg [dreg:$0x1];
	s4 =	srdreg.scid  }
0x3: {  	s3 =	rddreg [dreg:$0x2];
	s1 =	stileid.u32;
	s13 =	sand.u32 $0x1, s4  }
0x4: {  	s0 =	rddreg [dreg:$0x3];
	s5 =	sshll.u32 s1, $0x8;
	s6 =	sshll.u32 s13, $0x7  }
0x5: {  	s4 =	simm.s32 $0x0;
	s26 =	sadd.s32 $0xC00, s12;
	s14 =	sor.u32 s6, s5  }
0x6: {  	[smem:$0x7FF] =	sst s4;
	s5 =	sshrl.u32 s14, $0x3;
	s15 =	sor.u32 $0x1000, s14  }
0x7: {  	_ =	strace $0x80000047;
	s5 =	sadd.s32 s26, s5;
	s7 =	sshrl.u32 s15, $0x3  }
0x8: {  	[tilespmem:s4], [sflag:$0x1] =	stream.linear.gather [hbm4b:s5+s4], $0x80, $0x38;
	[tilespmem:$0x8100] =	vst v63  }
0x9: {  	s8 =	simm.s32 $0x1;
	s6 =	sadd.s32 s26, s7;
	s7 =	simm.s32 $0x80  }
0xa: {  	[tilespmem:s7], [sflag:$0x2] =	stream.linear.gather [hbm4b:s6+s4], $0x80, $0x38;
	[tilespmem:$0x8100] =	vst v63  }
0xb: {  	_ =	swait.ge [sflag:s8], $0x80  }
0xc: {  	[sflag:s8] =	ssyncset.done $0x0  }
0xd: {  	s9 =	simm.s32 $0x100;
	s10 =	simm.s32 $0x2;
	[sflag:s8] =	ssyncadd.s32 $0xFFFFFF80  }
0xe: {  	[tilespmem:s9], [sflag:$0x1] =	stream.indirect.gather [hbm4b:s2+s7], $0x80, s4, s7, $0xb8;
	[tilespmem:$0x8100] =	vst v63  }
0xf: {  	_ =	swait.ge [sflag:s10], $0x80  }
0x10: {  	[sflag:s10] =	ssyncset.done $0x0  }
0x11: {  	s11 =	simm.s32 $0x4100;
	[sflag:s10] =	ssyncadd.s32 $0xFFFFFF80  }
0x12: {  	[tilespmem:s11], [sflag:$0x2] =	stream.indirect.gather [hbm4b:s3+s7], $0x80, s7, s7, $0xb8;
	[tilespmem:$0x8100] =	vst v63  }
0x13: {  	s16 =	sadd.s32 $0x1000, s12;
	_ =	swait.ge [sflag:s8], $0x4000  }
0x14: {  	s17 =	ssub.s32 $0x2, s13;
	s28 =	sshll.u32 s14, $0x4;
	[sflag:s8] =	ssyncset.done $0x0  }
0x15: {  	s30 =	sshrl.u32 s17, $0x1;
	s12 =	sadd.s32 s16, s28;
	[sflag:s8] =	ssyncadd.s32 $0xFFFFC000  }
0x16: {  	[hbm4b:s12+s4] =	stream.linear.scatter [tilespmem:s9], [sflag:$0x3], $0x4000, $0x38;
	[tilespmem:$0x8100] =	vst v63  }
0x17: {  	s29 =	sshll.u32 s15, $0x4;
	s15 =	ssub.s32 s17, s30;
	_ =	swait.ge [sflag:s10], $0x4000  }
0x18: {  	s14 =	simm.s32 $0x3;
	s31 =	smax.u32 s15, $0x1;
	[sflag:s10] =	ssyncset.done $0x0  }
0x19: {  	s13 =	sadd.s32 s16, s29;
	p0 =	sne.s32 s31, $0x1;
	[sflag:s10] =	ssyncadd.s32 $0xFFFFC000  }
0x1a: {  	[hbm4b:s13+s4] =	stream.linear.scatter [tilespmem:s11], [sflag:$0x4], $0x4000, $0x38;
	[tilespmem:$0x8100] =	vst v63  }
.Ltmp0:
0x1b: {  	_ =	swait.ge [sflag:s14], $0x4000;
	(pc) =	sbr.rel @!p0 .LBB2_2-.Ltmp0, $4  }
0x1c: {  	[sflag:s14] =	ssyncset.done $0x0  }
0x1d: {  	s15 =	simm.s32 $0x4;
	[sflag:s14] =	ssyncadd.s32 $0xFFFFC000  }
0x1e: {  	_ =	swait.ge [sflag:s15], $0x4000  }
0x1f: {  	s16 =	sadd.s32 $0xFFFFFFFF, s31;
	[sflag:s15] =	ssyncset.done $0x0  }
.LBB2_1:
0x20: {  	p0 =	sne.s32 s16, $0x1;
	s16 =	sadd.s32 $0xFFFFFFFF, s16;
	[sflag:s15] =	ssyncadd.s32 $0xFFFFC000  }
0x21: {  	[tilespmem:s4], [sflag:$0x1] =	stream.linear.gather [hbm4b:s5+s4], $0x80, $0x38;
	[tilespmem:$0x8100] =	vst v63  }
0x22: {  	_ = 	snop  }
0x23: {  	[tilespmem:s7], [sflag:$0x2] =	stream.linear.gather [hbm4b:s6+s4], $0x80, $0x38;
	[tilespmem:$0x8100] =	vst v63  }
0x24: {  	_ =	swait.ge [sflag:s8], $0x80  }
0x25: {  	[sflag:s8] =	ssyncset.done $0x0  }
0x26: {  	[sflag:s8] =	ssyncadd.s32 $0xFFFFFF80  }
0x27: {  	[tilespmem:s9], [sflag:$0x1] =	stream.indirect.gather [hbm4b:s2+s7], $0x80, s4, s7, $0xb8;
	[tilespmem:$0x8100] =	vst v63  }
0x28: {  	_ =	swait.ge [sflag:s10], $0x80  }
0x29: {  	[sflag:s10] =	ssyncset.done $0x0  }
0x2a: {  	[sflag:s10] =	ssyncadd.s32 $0xFFFFFF80  }
0x2b: {  	[tilespmem:s11], [sflag:$0x2] =	stream.indirect.gather [hbm4b:s3+s7], $0x80, s7, s7, $0xb8;
	[tilespmem:$0x8100] =	vst v63  }
0x2c: {  	_ =	swait.ge [sflag:s8], $0x4000  }
0x2d: {  	[sflag:s8] =	ssyncset.done $0x0  }
0x2e: {  	[sflag:s8] =	ssyncadd.s32 $0xFFFFC000  }
0x2f: {  	[hbm4b:s12+s4] =	stream.linear.scatter [tilespmem:s9], [sflag:$0x3], $0x4000, $0x38;
	[tilespmem:$0x8100] =	vst v63  }
0x30: {  	_ =	swait.ge [sflag:s10], $0x4000  }
0x31: {  	[sflag:s10] =	ssyncset.done $0x0  }
0x32: {  	[sflag:s10] =	ssyncadd.s32 $0xFFFFC000  }
0x33: {  	[hbm4b:s13+s4] =	stream.linear.scatter [tilespmem:s11], [sflag:$0x4], $0x4000, $0x38;
	[tilespmem:$0x8100] =	vst v63  }
.Ltmp1:
0x34: {  	_ =	swait.ge [sflag:s14], $0x4000;
	(pc) =	sbr.rel @p0 .LBB2_1-.Ltmp1, $4  }
0x35: {  	[sflag:s14] =	ssyncset.done $0x0  }
0x36: {  	[sflag:s14] =	ssyncadd.s32 $0xFFFFC000  }
0x37: {  	_ =	swait.ge [sflag:s15], $0x4000  }
0x38: {  	[sflag:s15] =	ssyncset.done $0x0  }
.LBB2_2:
0x39: {  	[sflag:s15] =	ssyncadd.s32 $0xFFFFC000  }
0x3a: {  	_ =	sfence.sel $0x180000  }
0x3b: {  	[bflag:$0x0] =	sbarrier.arrive $0xFFFF  }
0x3c: {  	p0 =	sne.s32 s1, $0x0;
	_ =	strace $0x90000047  }
0x3d: {  	s0 =	sadd.s32 @!p0 $0x100000, s0;
	[bflag:$0x2] =	sbarrier.arrive $0xFFFF  }
0x3e: {  	[sflag:s0] =	ssyncadd.tile.s32 @!p0 $0x1;
	_ =	shalt  }
.Lfunc_end2:
_tile_overlayer_lowered:
.L_overlay_start_2:
0x3f: {  	(tag) =	ssettag $0x2  }
0x40: {  	s0 =	rddreg [dreg:$0x0];
	s2 =	stileid.u32  }
0x41: {  	s1 =	rddreg [dreg:$0x1];
	p0 =	sne.s32 s2, $0x0  }
0x42: {  	s3 =	rddreg [dreg:$0x2];
	[bflag:$0x3] =	sbarrier.arrive $0xFFFF;
	s2 =	simm.s32 @!p0 $0x1C05  }
0x43: {  	[timem:s3], [sflag:s2] =	dma.local @!p0 [hbm:s0], s1  }
0x44: {  	s0 =	simm.s32 @!p0 $0x5  }
0x45: {  	_ =	swait.ge @!p0 [sflag:s0], s1  }
0x46: {  	s1 =	ssub.s32 @!p0 $0x0, s1;
	[sflag:s0] =	ssyncset.done @!p0 $0x0  }
0x47: {  	[sflag:s0] =	ssyncadd.s32 @!p0 s1  }
0x48: {  	[bflag:$0x3] =	sbarrier.arrive $0xFFFF  }
0x49: {  	_ =	shalt  }

</sc_bundles>
